<compile_context>
chip_gen: v7x
topology: tpu7x:2x2x1
jax: 0.10.2.dev20260603
libtpu: 0.0.44.dev20260713+nightly
codegen_flags: <defaults>
</compile_context>

<pallas_src>
import functools

import jax
import jax.numpy as jnp
from jax import lax
from jax.experimental import pallas as pl
from jax.experimental.pallas import tpu as pltpu
from jax.experimental.pallas import tpu_sc as plsc

_F = 26
_V = 100000
_D = 32
_B = 16384
_NW = 32
_NT = _F * _D
_BH = _B // 2

_mesh = plsc.VectorSubcoreMesh(core_axis_name="c", subcore_axis_name="s")


@functools.partial(
    pl.kernel,
    mesh=_mesh,
    out_type=jax.ShapeDtypeStruct((_NT, _B), jnp.float32),
    compiler_params=pltpu.CompilerParams(
        use_tc_tiling_on_sc=False, needs_layout_passes=False),
    scratch_types=[
        pltpu.VMEM((_V,), jnp.float32),
        pltpu.VMEM((_B,), jnp.int32),
        pltpu.VMEM((_BH,), jnp.float32),
        pltpu.SemaphoreType.DMA,
    ],
)
def _embed_cols(xt_hbm, tab_hbm, out_hbm, slicev, xfv, colv, sem):
    wid = lax.axis_index("s") * 2 + lax.axis_index("c")

    def task_body(t, carry):
        c = t * _NW + wid
        f = c // _D
        d = c - f * _D
        cps = pltpu.async_copy(tab_hbm.at[f, d], slicev, sem)
        pltpu.sync_copy(xt_hbm.at[f], xfv)
        cps.wait()

        def half_body(h, carry2):
            def vec_body(k, carry3):
                for u in range(8):
                    sl = pl.ds(h * _BH + k * 128 + u * 16, 16)
                    osl = pl.ds(k * 128 + u * 16, 16)
                    colv[osl] = plsc.load_gather(slicev, [xfv[sl]])
                return carry3

            lax.fori_loop(0, _BH // 128, vec_body, 0)
            pltpu.sync_copy(colv, out_hbm.at[c, pl.ds(h * _BH, _BH)])
            return carry2

        lax.fori_loop(0, 2, half_body, 0)
        return carry

    lax.fori_loop(0, _NT // _NW, task_body, 0)


@jax.jit
def kernel(x, tables):
    xt = jnp.transpose(x)
    tt = jnp.transpose(tables, (0, 2, 1))
    out_t = _embed_cols(xt, tt)
    return jnp.transpose(out_t)

# --- scband reference (transcript-rebuilt; emitter-appended) ---
"""Pipeline reference for scband-deep-net-51719996178492 (READ-ONLY COPY).

The authoritative reference and input builder live on the scoring server;
editing this copy changes nothing except your own understanding.
"""

import jax, jax.numpy as jnp
import numpy as np

NUM_FIELDS = 26
VOCAB = 100000
EMBED_DIM = 32
BATCH = 16384

def setup_inputs(seed: int = 0) -> dict:
    key = jax.random.key(seed)
    k_tab = jax.random.fold_in(key, 1)
    rng = np.random.default_rng(0)
    x = jnp.asarray(rng.integers(0, VOCAB, size=(BATCH, NUM_FIELDS)), dtype=jnp.int32)
    # one embedding table per categorical feature, stacked: [F, V, D]
    tables = jax.random.normal(k_tab, (NUM_FIELDS, VOCAB, EMBED_DIM), dtype=jnp.float32) * 0.05
    return {"x": x, "tables": tables}

def reference(x, tables):
    # MultipleEmbeddingLayer: per-field embedding lookup, then concat on dim=1.
    # dnn_layers is empty, so DeepNet == MultipleEmbeddingLayer.
    embeddings = [jnp.take(tables[i], x[:, i], axis=0) for i in range(NUM_FIELDS)]
    concated_embedding = jnp.concatenate(embeddings, axis=1)
    return concated_embedding

if __name__ == "__main__":
    import jax
    _d = setup_inputs()
    print(jax.jit(kernel)(*tuple(_d.values())))

</pallas_src>

<mosaic_0001>
#map = affine_map<(d0, d1) -> (0, 0)>
#map1 = affine_map<(d0, d1) -> (0, 0, 0)>
module attributes {stable_mosaic.version = 14 : i64} {
  func.func @_embed_cols(%arg0: i32, %arg1: i32, %arg2: memref<26x16384xi32, #tpu.memory_space<hbm>>, %arg3: memref<26x32x100000xf32, #tpu.memory_space<hbm>>, %arg4: memref<832x16384xf32, #tpu.memory_space<hbm>>, %arg5: memref<100000xf32, #tpu.memory_space<vmem>>, %arg6: memref<16384xi32, #tpu.memory_space<vmem>>, %arg7: memref<8192xf32, #tpu.memory_space<vmem>>, %arg8: memref<!tpu.dma_semaphore, #tpu.memory_space<semaphore_mem>>) attributes {dimension_semantics = [#tpu.dimension_semantics<core_parallel>, #tpu.dimension_semantics<subcore_parallel>], iteration_bounds = array<i64: 2, 16>, scalar_prefetch = 0 : i64, scratch_operands = 4 : i64, tpu.core_type = #tpu.core_type<sc_vector_subcore>, window_params = [{transform_indices = #map}, {transform_indices = #map1}, {transform_indices = #map}]} {
    %mul3A = arith.constant 2 : i32
    %mul3A_0 = arith.muli %arg1, %mul3A : i32
    %add3A = arith.addi %mul3A_0, %arg0 : i32
    %scan3A = arith.constant 0 : i32
    %scan3A_1 = arith.constant 0 : i32
    %scan3A_2 = arith.constant 26 : i32
    %scan3A_3 = arith.addi %scan3A_1, %scan3A_2 : i32
    %scan3A_4 = arith.constant 1 : i32
    scf.for %scan3A_6 = %scan3A_1 to %scan3A_3 step %scan3A_4  : i32 {
      %mul3A_7 = arith.constant 32 : i32
      %mul3A_8 = arith.muli %scan3A_6, %mul3A_7 : i32
      %add3A_9 = arith.addi %mul3A_8, %add3A : i32
      %jit3A = arith.constant 32 : i32
      %div3A = arith.divsi %add3A_9, %jit3A : i32
      %sign3A = arith.constant 0 : i32
      %sign3A_10 = arith.cmpi sgt, %add3A_9, %sign3A : i32
      %sign3A_11 = arith.extui %sign3A_10 : i1 to i32
      %sign3A_12 = arith.constant 0 : i32
      %sign3A_13 = arith.cmpi slt, %add3A_9, %sign3A_12 : i32
      %sign3A_14 = arith.extui %sign3A_13 : i1 to i32
      %sign3A_15 = arith.subi %sign3A_11, %sign3A_14 : i32
      %sign3A_16 = arith.constant 0 : i32
      %sign3A_17 = arith.cmpi sgt, %jit3A, %sign3A_16 : i32
      %sign3A_18 = arith.extui %sign3A_17 : i1 to i32
      %sign3A_19 = arith.constant 0 : i32
      %sign3A_20 = arith.cmpi slt, %jit3A, %sign3A_19 : i32
      %sign3A_21 = arith.extui %sign3A_20 : i1 to i32
      %sign3A_22 = arith.subi %sign3A_18, %sign3A_21 : i32
      %ne3A = arith.cmpi ne, %sign3A_15, %sign3A_22 : i32
      %rem3A = arith.remsi %add3A_9, %jit3A : i32
      %ne3A_23 = arith.constant 0 : i32
      %ne3A_24 = arith.cmpi ne, %rem3A, %ne3A_23 : i32
      %and3A = arith.andi %ne3A, %ne3A_24 : i1
      %sub3A = arith.constant 1 : i32
      %sub3A_25 = arith.subi %div3A, %sub3A : i32
      %select_n3A = arith.select %and3A, %sub3A_25, %div3A : i32
      %mul3A_26 = arith.constant 32 : i32
      %mul3A_27 = arith.muli %select_n3A, %mul3A_26 : i32
      %sub3A_28 = arith.subi %add3A_9, %mul3A_27 : i32
      %dma_start3A = arith.constant 0 : i32
      %dma_start3A_29 = tpu.memref_slice %arg3[%select_n3A, %sub3A_28, %dma_start3A] : memref<26x32x100000xf32, #tpu.memory_space<hbm>> -> memref<1x1x100000xf32, #tpu.memory_space<hbm>>
      %dma_start3A_30 = tpu.memref_squeeze %dma_start3A_29 : memref<1x1x100000xf32, #tpu.memory_space<hbm>> -> memref<100000xf32, #tpu.memory_space<hbm>>
      %dma_start3A_31 = arith.constant 0 : i32
      %dma_start3A_32 = tpu.memref_slice %arg3[%select_n3A, %sub3A_28, %dma_start3A_31] : memref<26x32x100000xf32, #tpu.memory_space<hbm>> -> memref<1x1x100000xf32, #tpu.memory_space<hbm>>
      %dma_start3A_33 = tpu.memref_squeeze %dma_start3A_32 : memref<1x1x100000xf32, #tpu.memory_space<hbm>> -> memref<100000xf32, #tpu.memory_space<hbm>>
      tpu.enqueue_dma source(%dma_start3A_33 : memref<100000xf32, #tpu.memory_space<hbm>>) target(%arg5 : memref<100000xf32, #tpu.memory_space<vmem>>) target_semaphore(%arg8 : memref<!tpu.dma_semaphore, #tpu.memory_space<semaphore_mem>>)
      "tpu.region"() ({
        %run_scoped3A = tpu.sem_alloc : memref<!tpu.dma_semaphore, #tpu.memory_space<semaphore_mem>>
        %dma_start3A_45 = arith.constant 0 : i32
        %dma_start3A_46 = tpu.memref_slice %arg2[%select_n3A, %dma_start3A_45] : memref<26x16384xi32, #tpu.memory_space<hbm>> -> memref<1x16384xi32, #tpu.memory_space<hbm>>
        %dma_start3A_47 = tpu.memref_squeeze %dma_start3A_46 : memref<1x16384xi32, #tpu.memory_space<hbm>> -> memref<16384xi32, #tpu.memory_space<hbm>>
        %dma_start3A_48 = arith.constant 0 : i32
        %dma_start3A_49 = tpu.memref_slice %arg2[%select_n3A, %dma_start3A_48] : memref<26x16384xi32, #tpu.memory_space<hbm>> -> memref<1x16384xi32, #tpu.memory_space<hbm>>
        %dma_start3A_50 = tpu.memref_squeeze %dma_start3A_49 : memref<1x16384xi32, #tpu.memory_space<hbm>> -> memref<16384xi32, #tpu.memory_space<hbm>>
        tpu.enqueue_dma source(%dma_start3A_50 : memref<16384xi32, #tpu.memory_space<hbm>>) target(%arg6 : memref<16384xi32, #tpu.memory_space<vmem>>) target_semaphore(%run_scoped3A : memref<!tpu.dma_semaphore, #tpu.memory_space<semaphore_mem>>)
        %dma_wait3A_51 = arith.constant 0 : i32
        %dma_wait3A_52 = tpu.memref_slice %arg2[%select_n3A, %dma_wait3A_51] : memref<26x16384xi32, #tpu.memory_space<hbm>> -> memref<1x16384xi32, #tpu.memory_space<hbm>>
        %dma_wait3A_53 = tpu.memref_squeeze %dma_wait3A_52 : memref<1x16384xi32, #tpu.memory_space<hbm>> -> memref<16384xi32, #tpu.memory_space<hbm>>
        %dma_wait3A_54 = arith.constant 0 : i32
        %dma_wait3A_55 = tpu.memref_slice %arg2[%select_n3A, %dma_wait3A_54] : memref<26x16384xi32, #tpu.memory_space<hbm>> -> memref<1x16384xi32, #tpu.memory_space<hbm>>
        %dma_wait3A_56 = tpu.memref_squeeze %dma_wait3A_55 : memref<1x16384xi32, #tpu.memory_space<hbm>> -> memref<16384xi32, #tpu.memory_space<hbm>>
        tpu.wait_dma2 semaphore(%run_scoped3A : memref<!tpu.dma_semaphore, #tpu.memory_space<semaphore_mem>>) src(%dma_wait3A_56 : memref<16384xi32, #tpu.memory_space<hbm>>) dst(%arg6 : memref<16384xi32, #tpu.memory_space<vmem>>)
        tpu.yield
      }) : () -> ()
      %dma_wait3A = arith.constant 0 : i32
      %dma_wait3A_34 = tpu.memref_slice %arg3[%select_n3A, %sub3A_28, %dma_wait3A] : memref<26x32x100000xf32, #tpu.memory_space<hbm>> -> memref<1x1x100000xf32, #tpu.memory_space<hbm>>
      %dma_wait3A_35 = tpu.memref_squeeze %dma_wait3A_34 : memref<1x1x100000xf32, #tpu.memory_space<hbm>> -> memref<100000xf32, #tpu.memory_space<hbm>>
      %dma_wait3A_36 = arith.constant 0 : i32
      %dma_wait3A_37 = tpu.memref_slice %arg3[%select_n3A, %sub3A_28, %dma_wait3A_36] : memref<26x32x100000xf32, #tpu.memory_space<hbm>> -> memref<1x1x100000xf32, #tpu.memory_space<hbm>>
      %dma_wait3A_38 = tpu.memref_squeeze %dma_wait3A_37 : memref<1x1x100000xf32, #tpu.memory_space<hbm>> -> memref<100000xf32, #tpu.memory_space<hbm>>
      tpu.wait_dma2 semaphore(%arg8 : memref<!tpu.dma_semaphore, #tpu.memory_space<semaphore_mem>>) src(%dma_wait3A_38 : memref<100000xf32, #tpu.memory_space<hbm>>) dst(%arg5 : memref<100000xf32, #tpu.memory_space<vmem>>)
      %scan3A_39 = arith.constant 0 : i32
      %scan3A_40 = arith.constant 0 : i32
      %scan3A_41 = arith.constant 2 : i32
      %scan3A_42 = arith.addi %scan3A_40, %scan3A_41 : i32
      %scan3A_43 = arith.constant 1 : i32
      scf.for %scan3A_45 = %scan3A_40 to %scan3A_42 step %scan3A_43  : i32 {
        %scan3A_46 = arith.constant 0 : i32
        %scan3A_47 = arith.constant 0 : i32
        %scan3A_48 = arith.constant 64 : i32
        %scan3A_49 = arith.addi %scan3A_47, %scan3A_48 : i32
        %scan3A_50 = arith.constant 1 : i32
        scf.for %scan3A_54 = %scan3A_47 to %scan3A_49 step %scan3A_50  : i32 {
          %mul3A_55 = arith.constant 8192 : i32
          %mul3A_56 = arith.muli %scan3A_45, %mul3A_55 : i32
          %mul3A_57 = arith.constant 128 : i32
          %mul3A_58 = arith.muli %scan3A_54, %mul3A_57 : i32
          %add3A_59 = arith.addi %mul3A_56, %mul3A_58 : i32
          %add3A_60 = arith.constant 0 : i32
          %add3A_61 = arith.addi %add3A_59, %add3A_60 : i32
          %mul3A_62 = arith.constant 128 : i32
          %mul3A_63 = arith.muli %scan3A_54, %mul3A_62 : i32
          %add3A_64 = arith.constant 0 : i32
          %add3A_65 = arith.addi %mul3A_63, %add3A_64 : i32
          %get3A = arith.index_cast %add3A_61 : i32 to index
          %get3A_66 = tpu.vector_load %arg6[%get3A] {strides = array<i32>} : memref<16384xi32, #tpu.memory_space<vmem>>, vector<16xi32>,
          %gather3A = tpu.vector_load_idx %arg5[%get3A_66] : memref<100000xf32, #tpu.memory_space<vmem>>[vector<16xi32>], vector<16xf32>,
          %swap3A = arith.index_cast %add3A_65 : i32 to index
          %swap3A_67 = tpu.vector_load %arg7[%swap3A] {strides = array<i32>} : memref<8192xf32, #tpu.memory_space<vmem>>, vector<16xf32>,
          tpu.vector_store %arg7[%swap3A], %gather3A {strides = array<i32>} : memref<8192xf32, #tpu.memory_space<vmem>>, vector<16xf32>,
          %mul3A_68 = arith.constant 8192 : i32
          %mul3A_69 = arith.muli %scan3A_45, %mul3A_68 : i32
          %mul3A_70 = arith.constant 128 : i32
          %mul3A_71 = arith.muli %scan3A_54, %mul3A_70 : i32
          %add3A_72 = arith.addi %mul3A_69, %mul3A_71 : i32
          %add3A_73 = arith.constant 16 : i32
          %add3A_74 = arith.addi %add3A_72, %add3A_73 : i32
          %mul3A_75 = arith.constant 128 : i32
          %mul3A_76 = arith.muli %scan3A_54, %mul3A_75 : i32
          %add3A_77 = arith.constant 16 : i32
          %add3A_78 = arith.addi %mul3A_76, %add3A_77 : i32
          %get3A_79 = arith.index_cast %add3A_74 : i32 to index
          %get3A_80 = tpu.vector_load %arg6[%get3A_79] {strides = array<i32>} : memref<16384xi32, #tpu.memory_space<vmem>>, vector<16xi32>,
          %gather3A_81 = tpu.vector_load_idx %arg5[%get3A_80] : memref<100000xf32, #tpu.memory_space<vmem>>[vector<16xi32>], vector<16xf32>,
          %swap3A_82 = arith.index_cast %add3A_78 : i32 to index
          %swap3A_83 = tpu.vector_load %arg7[%swap3A_82] {strides = array<i32>} : memref<8192xf32, #tpu.memory_space<vmem>>, vector<16xf32>,
          tpu.vector_store %arg7[%swap3A_82], %gather3A_81 {strides = array<i32>} : memref<8192xf32, #tpu.memory_space<vmem>>, vector<16xf32>,
          %mul3A_84 = arith.constant 8192 : i32
          %mul3A_85 = arith.muli %scan3A_45, %mul3A_84 : i32
          %mul3A_86 = arith.constant 128 : i32
          %mul3A_87 = arith.muli %scan3A_54, %mul3A_86 : i32
          %add3A_88 = arith.addi %mul3A_85, %mul3A_87 : i32
          %add3A_89 = arith.constant 32 : i32
          %add3A_90 = arith.addi %add3A_88, %add3A_89 : i32
          %mul3A_91 = arith.constant 128 : i32
          %mul3A_92 = arith.muli %scan3A_54, %mul3A_91 : i32
          %add3A_93 = arith.constant 32 : i32
          %add3A_94 = arith.addi %mul3A_92, %add3A_93 : i32
          %get3A_95 = arith.index_cast %add3A_90 : i32 to index
          %get3A_96 = tpu.vector_load %arg6[%get3A_95] {strides = array<i32>} : memref<16384xi32, #tpu.memory_space<vmem>>, vector<16xi32>,
          %gather3A_97 = tpu.vector_load_idx %arg5[%get3A_96] : memref<100000xf32, #tpu.memory_space<vmem>>[vector<16xi32>], vector<16xf32>,
          %swap3A_98 = arith.index_cast %add3A_94 : i32 to index
          %swap3A_99 = tpu.vector_load %arg7[%swap3A_98] {strides = array<i32>} : memref<8192xf32, #tpu.memory_space<vmem>>, vector<16xf32>,
          tpu.vector_store %arg7[%swap3A_98], %gather3A_97 {strides = array<i32>} : memref<8192xf32, #tpu.memory_space<vmem>>, vector<16xf32>,
          %mul3A_100 = arith.constant 8192 : i32
          %mul3A_101 = arith.muli %scan3A_45, %mul3A_100 : i32
          %mul3A_102 = arith.constant 128 : i32
          %mul3A_103 = arith.muli %scan3A_54, %mul3A_102 : i32
          %add3A_104 = arith.addi %mul3A_101, %mul3A_103 : i32
          %add3A_105 = arith.constant 48 : i32
          %add3A_106 = arith.addi %add3A_104, %add3A_105 : i32
          %mul3A_107 = arith.constant 128 : i32
          %mul3A_108 = arith.muli %scan3A_54, %mul3A_107 : i32
          %add3A_109 = arith.constant 48 : i32
          %add3A_110 = arith.addi %mul3A_108, %add3A_109 : i32
          %get3A_111 = arith.index_cast %add3A_106 : i32 to index
          %get3A_112 = tpu.vector_load %arg6[%get3A_111] {strides = array<i32>} : memref<16384xi32, #tpu.memory_space<vmem>>, vector<16xi32>,
          %gather3A_113 = tpu.vector_load_idx %arg5[%get3A_112] : memref<100000xf32, #tpu.memory_space<vmem>>[vector<16xi32>], vector<16xf32>,
          %swap3A_114 = arith.index_cast %add3A_110 : i32 to index
          %swap3A_115 = tpu.vector_load %arg7[%swap3A_114] {strides = array<i32>} : memref<8192xf32, #tpu.memory_space<vmem>>, vector<16xf32>,
          tpu.vector_store %arg7[%swap3A_114], %gather3A_113 {strides = array<i32>} : memref<8192xf32, #tpu.memory_space<vmem>>, vector<16xf32>,
          %mul3A_116 = arith.constant 8192 : i32
          %mul3A_117 = arith.muli %scan3A_45, %mul3A_116 : i32
          %mul3A_118 = arith.constant 128 : i32
          %mul3A_119 = arith.muli %scan3A_54, %mul3A_118 : i32
          %add3A_120 = arith.addi %mul3A_117, %mul3A_119 : i32
          %add3A_121 = arith.constant 64 : i32
          %add3A_122 = arith.addi %add3A_120, %add3A_121 : i32
          %mul3A_123 = arith.constant 128 : i32
          %mul3A_124 = arith.muli %scan3A_54, %mul3A_123 : i32
          %add3A_125 = arith.constant 64 : i32
          %add3A_126 = arith.addi %mul3A_124, %add3A_125 : i32
          %get3A_127 = arith.index_cast %add3A_122 : i32 to index
          %get3A_128 = tpu.vector_load %arg6[%get3A_127] {strides = array<i32>} : memref<16384xi32, #tpu.memory_space<vmem>>, vector<16xi32>,
          %gather3A_129 = tpu.vector_load_idx %arg5[%get3A_128] : memref<100000xf32, #tpu.memory_space<vmem>>[vector<16xi32>], vector<16xf32>,
          %swap3A_130 = arith.index_cast %add3A_126 : i32 to index
          %swap3A_131 = tpu.vector_load %arg7[%swap3A_130] {strides = array<i32>} : memref<8192xf32, #tpu.memory_space<vmem>>, vector<16xf32>,
          tpu.vector_store %arg7[%swap3A_130], %gather3A_129 {strides = array<i32>} : memref<8192xf32, #tpu.memory_space<vmem>>, vector<16xf32>,
          %mul3A_132 = arith.constant 8192 : i32
          %mul3A_133 = arith.muli %scan3A_45, %mul3A_132 : i32
          %mul3A_134 = arith.constant 128 : i32
          %mul3A_135 = arith.muli %scan3A_54, %mul3A_134 : i32
          %add3A_136 = arith.addi %mul3A_133, %mul3A_135 : i32
          %add3A_137 = arith.constant 80 : i32
          %add3A_138 = arith.addi %add3A_136, %add3A_137 : i32
          %mul3A_139 = arith.constant 128 : i32
          %mul3A_140 = arith.muli %scan3A_54, %mul3A_139 : i32
          %add3A_141 = arith.constant 80 : i32
          %add3A_142 = arith.addi %mul3A_140, %add3A_141 : i32
          %get3A_143 = arith.index_cast %add3A_138 : i32 to index
          %get3A_144 = tpu.vector_load %arg6[%get3A_143] {strides = array<i32>} : memref<16384xi32, #tpu.memory_space<vmem>>, vector<16xi32>,
          %gather3A_145 = tpu.vector_load_idx %arg5[%get3A_144] : memref<100000xf32, #tpu.memory_space<vmem>>[vector<16xi32>], vector<16xf32>,
          %swap3A_146 = arith.index_cast %add3A_142 : i32 to index
          %swap3A_147 = tpu.vector_load %arg7[%swap3A_146] {strides = array<i32>} : memref<8192xf32, #tpu.memory_space<vmem>>, vector<16xf32>,
          tpu.vector_store %arg7[%swap3A_146], %gather3A_145 {strides = array<i32>} : memref<8192xf32, #tpu.memory_space<vmem>>, vector<16xf32>,
          %mul3A_148 = arith.constant 8192 : i32
          %mul3A_149 = arith.muli %scan3A_45, %mul3A_148 : i32
          %mul3A_150 = arith.constant 128 : i32
          %mul3A_151 = arith.muli %scan3A_54, %mul3A_150 : i32
          %add3A_152 = arith.addi %mul3A_149, %mul3A_151 : i32
          %add3A_153 = arith.constant 96 : i32
          %add3A_154 = arith.addi %add3A_152, %add3A_153 : i32
          %mul3A_155 = arith.constant 128 : i32
          %mul3A_156 = arith.muli %scan3A_54, %mul3A_155 : i32
          %add3A_157 = arith.constant 96 : i32
          %add3A_158 = arith.addi %mul3A_156, %add3A_157 : i32
          %get3A_159 = arith.index_cast %add3A_154 : i32 to index
          %get3A_160 = tpu.vector_load %arg6[%get3A_159] {strides = array<i32>} : memref<16384xi32, #tpu.memory_space<vmem>>, vector<16xi32>,
          %gather3A_161 = tpu.vector_load_idx %arg5[%get3A_160] : memref<100000xf32, #tpu.memory_space<vmem>>[vector<16xi32>], vector<16xf32>,
          %swap3A_162 = arith.index_cast %add3A_158 : i32 to index
          %swap3A_163 = tpu.vector_load %arg7[%swap3A_162] {strides = array<i32>} : memref<8192xf32, #tpu.memory_space<vmem>>, vector<16xf32>,
          tpu.vector_store %arg7[%swap3A_162], %gather3A_161 {strides = array<i32>} : memref<8192xf32, #tpu.memory_space<vmem>>, vector<16xf32>,
          %mul3A_164 = arith.constant 8192 : i32
          %mul3A_165 = arith.muli %scan3A_45, %mul3A_164 : i32
          %mul3A_166 = arith.constant 128 : i32
          %mul3A_167 = arith.muli %scan3A_54, %mul3A_166 : i32
          %add3A_168 = arith.addi %mul3A_165, %mul3A_167 : i32
          %add3A_169 = arith.constant 112 : i32
          %add3A_170 = arith.addi %add3A_168, %add3A_169 : i32
          %mul3A_171 = arith.constant 128 : i32
          %mul3A_172 = arith.muli %scan3A_54, %mul3A_171 : i32
          %add3A_173 = arith.constant 112 : i32
          %add3A_174 = arith.addi %mul3A_172, %add3A_173 : i32
          %get3A_175 = arith.index_cast %add3A_170 : i32 to index
          %get3A_176 = tpu.vector_load %arg6[%get3A_175] {strides = array<i32>} : memref<16384xi32, #tpu.memory_space<vmem>>, vector<16xi32>,
          %gather3A_177 = tpu.vector_load_idx %arg5[%get3A_176] : memref<100000xf32, #tpu.memory_space<vmem>>[vector<16xi32>], vector<16xf32>,
          %swap3A_178 = arith.index_cast %add3A_174 : i32 to index
          %swap3A_179 = tpu.vector_load %arg7[%swap3A_178] {strides = array<i32>} : memref<8192xf32, #tpu.memory_space<vmem>>, vector<16xf32>,
          tpu.vector_store %arg7[%swap3A_178], %gather3A_177 {strides = array<i32>} : memref<8192xf32, #tpu.memory_space<vmem>>, vector<16xf32>,
        }
        %scan3A_51 = arith.constant 64 : i32
        %mul3A_52 = arith.constant 8192 : i32
        %mul3A_53 = arith.muli %scan3A_45, %mul3A_52 : i32
        "tpu.region"() ({
          %run_scoped3A = tpu.sem_alloc : memref<!tpu.dma_semaphore, #tpu.memory_space<semaphore_mem>>
          %dma_start3A_54 = tpu.memref_slice %arg4[%add3A_9, %mul3A_53] : memref<832x16384xf32, #tpu.memory_space<hbm>> -> memref<1x8192xf32, #tpu.memory_space<hbm>>
          %dma_start3A_55 = tpu.memref_squeeze %dma_start3A_54 : memref<1x8192xf32, #tpu.memory_space<hbm>> -> memref<8192xf32, #tpu.memory_space<hbm>>
          %dma_start3A_56 = tpu.memref_slice %arg4[%add3A_9, %mul3A_53] : memref<832x16384xf32, #tpu.memory_space<hbm>> -> memref<1x8192xf32, #tpu.memory_space<hbm>>
          %dma_start3A_57 = tpu.memref_squeeze %dma_start3A_56 : memref<1x8192xf32, #tpu.memory_space<hbm>> -> memref<8192xf32, #tpu.memory_space<hbm>>
          tpu.enqueue_dma source(%arg7 : memref<8192xf32, #tpu.memory_space<vmem>>) target(%dma_start3A_57 : memref<8192xf32, #tpu.memory_space<hbm>>) target_semaphore(%run_scoped3A : memref<!tpu.dma_semaphore, #tpu.memory_space<semaphore_mem>>)
          %dma_wait3A_58 = tpu.memref_slice %arg4[%add3A_9, %mul3A_53] : memref<832x16384xf32, #tpu.memory_space<hbm>> -> memref<1x8192xf32, #tpu.memory_space<hbm>>
          %dma_wait3A_59 = tpu.memref_squeeze %dma_wait3A_58 : memref<1x8192xf32, #tpu.memory_space<hbm>> -> memref<8192xf32, #tpu.memory_space<hbm>>
          %dma_wait3A_60 = tpu.memref_slice %arg4[%add3A_9, %mul3A_53] : memref<832x16384xf32, #tpu.memory_space<hbm>> -> memref<1x8192xf32, #tpu.memory_space<hbm>>
          %dma_wait3A_61 = tpu.memref_squeeze %dma_wait3A_60 : memref<1x8192xf32, #tpu.memory_space<hbm>> -> memref<8192xf32, #tpu.memory_space<hbm>>
          tpu.wait_dma2 semaphore(%run_scoped3A : memref<!tpu.dma_semaphore, #tpu.memory_space<semaphore_mem>>) src(%arg7 : memref<8192xf32, #tpu.memory_space<vmem>>) dst(%dma_wait3A_61 : memref<8192xf32, #tpu.memory_space<hbm>>)
          tpu.yield
        }) : () -> ()
      }
      %scan3A_44 = arith.constant 2 : i32
    }
    %scan3A_5 = arith.constant 26 : i32
    return
  }
}

</mosaic_0001>

<sc_bundles>
// kernel: kernel.3.cloned.1.call-start
scs
__scs_entry_jumppad:
0x0: {  	(pc) =	sbr.rel $0x88, $3  }
0x1: {  	(tag) =	ssettag $0x0;
	lr =	simm.s32 $0x1  }
0x2: {  	[smem:$0x3F9F] =	sst lr;
	_ =	strace $0xD0000000  }
0x3: {  	_ = 	snop  }
0x4: {  	_ = 	snop  }
0x5: {  	_ = 	snop  }
0x6: {  	_ = 	snop  }
0x7: {  	_ = 	snop  }
__scs_overlays_trampoline_lowered:
0x8: {  	[smem:$0x3FAE] =	sst s0  }
0x9: {  	[smem:$0x3FAF] =	sst s1  }
0xa: {  	[smem:$0x3FB0] =	sst s2  }
0xb: {  	[smem:$0x3FB1] =	sst s3  }
0xc: {  	[smem:$0x3FB2] =	sst s4  }
0xd: {  	[smem:$0x3FB3] =	sst s5  }
0xe: {  	[smem:$0x3FB4] =	sst s6  }
0xf: {  	[smem:$0x3FB5] =	sst s7  }
0x10: {  	[smem:$0x3FB6] =	sst s8  }
0x11: {  	[smem:$0x3FB7] =	sst s9;
	s0 =	simm.s32 @!p0 $0x0  }
0x12: {  	s1 =	sld [smem:$0x3F9D];
	s0 =	simm.s32 @p0 $0x1  }
0x13: {  	[smem:$0x3FB8] =	sst s0;
	s0 =	simm.s32 @!p1 $0x0  }
0x14: {  	s2 =	sld [smem:$0x3F9C];
	s0 =	simm.s32 @p1 $0x1  }
0x15: {  	[smem:$0x3FB9] =	sst s0;
	s0 =	simm.s32 @!p2 $0x0  }
0x16: {  	s3 =	sld [smem:$0x3FDB];
	s0 =	simm.s32 @p2 $0x1  }
0x17: {  	s4 =	simm.s32 $0x1BF5;
	[smem:$0x3FBB] =	sst s0  }
0x18: {  	s0 =	sld [smem:$0x3F9E];
	_ =	swait.ge [sflag:s4], $0x0  }
0x19: {  	s7 =	sld [smem:$0x3F9F]  }
0x1a: {  	s8 =	sadd.s32 $0xFFFFE003, lr  }
0x1b: {  	s9 =	sadd.s32 $0xFFFFFEF7, lr;
	s5 =	simm.s32 $0xFFFFFFFF;
	p2 =	slt.u32 s8, $0xFFFFF086  }
0x1c: {  	p1 =	slt.u32 s9, $0xF7A;
	s5 =	simm.s32 @!p2 $0x0  }
0x1d: {  	s5 =	simm.s32 @p1 $0x1;
	p0 =	seq.s32 s7, s2  }
0x1e: {  	s7 =	smul.u32 @!p0 $0xF7A, s2;
	p2 =	seq.s32 @!p0 s5, $0x0  }
0x1f: {  	s9 =	smul.u32 $0xF7A, s1;
	s8 =	simm.s32 @!p0 $0x1BF5;
	p2 =	por !p2, p0  }
0x20: {  	[sflag:s8] =	ssyncset.s32 @!p0 $0xFFFFF086;
	s6 =	sadd.s32 @!p0 s3, s7;
	s7 =	simm.s32 @!p0 $0x108  }
0x21: {  	s3 =	sadd.s32 s3, s9;
	s6 =	sadd.s32 @!p0 $0x88, s6;
	s7 =	simm.s32 @p2 $0x1082  }
0x22: {  	[simem:s7], [sflag:s8] =	dma.local @!p0 [hbm:s6], $0xF7A  }
0x23: {  	s9 =	sor.u32 $0xD0000000, s2;
	s6 =	simm.s32 $0x108;
	_ =	swait.ge @!p0 [sflag:s8], $0x0  }
0x24: {  	s3 =	sadd.s32 $0x88, s3;
	s6 =	simm.s32 @!p1 $0x1082;
	[sflag:s4] =	ssyncset.s32 $0xFFFFF086  }
0x25: {  	[simem:s6], [sflag:s4] =	dma.local [hbm:s3], $0xF7A  }
0x26: {  	[smem:$0x3F9F] =	sst s1;
	(tag) =	ssettag s2;
	_ =	strace s9  }
0x27: {  	s1 =	sld [smem:$0x3FAF]  }
0x28: {  	s2 =	sld [smem:$0x3FB0]  }
0x29: {  	s4 =	sld [smem:$0x3FB2]  }
0x2a: {  	p0 =	seq.s32 s5, $0x0;
	s5 =	sld [smem:$0x3FB3]  }
0x2b: {  	s6 =	sld [smem:$0x3FB4]  }
0x2c: {  	s7 =	sld [smem:$0x3FB5]  }
0x2d: {  	s3 =	simm.s32 $0x108;
	s8 =	sld [smem:$0x3FB6]  }
0x2e: {  	s3 =	simm.s32 @!p0 $0x1082;
	s9 =	sld [smem:$0x3FB7]  }
0x2f: {  	lr =	sadd.s32 s0, s3;
	s0 =	sld [smem:$0x3FAE]  }
0x30: {  	s3 =	sld [smem:$0x3FB1]  }
0x31: {  	[smem:$0x3FBA] =	sst s10  }
0x32: {  	s10 =	sld [smem:$0x3FB8];
	_ =	sdelay $0x3  }
0x33: {  	p0 =	seq.s32 s10, $0x1;
	s10 =	sld [smem:$0x3FBA];
	_ =	sdelay $0x3  }
0x34: {  	[smem:$0x3FBA] =	sst s10  }
0x35: {  	s10 =	sld [smem:$0x3FB9];
	_ =	sdelay $0x3  }
0x36: {  	p1 =	seq.s32 s10, $0x1;
	s10 =	sld [smem:$0x3FBA];
	_ =	sdelay $0x3  }
0x37: {  	[smem:$0x3FBA] =	sst s10  }
0x38: {  	s10 =	sld [smem:$0x3FBB]  }
0x39: {  	_ = 	snop;
	(pc) =	sbr.ind lr, $3  }
0x3a: {  	_ = 	snop  }
0x3b: {  	_ = 	snop  }
0x3c: {  	p2 =	seq.s32 s10, $0x1;
	s10 =	sld [smem:$0x3FBA]  }
0x3d: {  	_ =	shalt  }
0x3e: {  	_ =	shalt  }
0x3f: {  	_ =	shalt  }
0x40: {  	_ =	shalt  }
0x41: {  	_ =	shalt  }
0x42: {  	_ =	shalt  }
0x43: {  	_ =	shalt  }
0x44: {  	_ =	shalt  }
0x45: {  	_ =	shalt  }
0x46: {  	_ =	shalt  }
0x47: {  	_ =	shalt  }
0x48: {  	_ =	shalt  }
0x49: {  	_ =	shalt  }
0x4a: {  	_ =	shalt  }
0x4b: {  	_ =	shalt  }
0x4c: {  	_ =	shalt  }
0x4d: {  	_ =	shalt  }
0x4e: {  	_ =	shalt  }
0x4f: {  	_ =	shalt  }
0x50: {  	_ =	shalt  }
0x51: {  	_ =	shalt  }
0x52: {  	_ =	shalt  }
0x53: {  	_ =	shalt  }
0x54: {  	_ =	shalt  }
0x55: {  	_ =	shalt  }
0x56: {  	_ =	shalt  }
0x57: {  	_ =	shalt  }
0x58: {  	_ =	shalt  }
0x59: {  	_ =	shalt  }
0x5a: {  	_ =	shalt  }
0x5b: {  	_ =	shalt  }
0x5c: {  	_ =	shalt  }
0x5d: {  	_ =	shalt  }
0x5e: {  	_ =	shalt  }
0x5f: {  	_ =	shalt  }
0x60: {  	_ =	shalt  }
0x61: {  	_ =	shalt  }
0x62: {  	_ =	shalt  }
0x63: {  	_ =	shalt  }
0x64: {  	_ =	shalt  }
0x65: {  	_ =	shalt  }
0x66: {  	_ =	shalt  }
0x67: {  	_ =	shalt  }
0x68: {  	_ =	shalt  }
0x69: {  	_ =	shalt  }
0x6a: {  	_ =	shalt  }
0x6b: {  	_ =	shalt  }
0x6c: {  	_ =	shalt  }
0x6d: {  	_ =	shalt  }
0x6e: {  	_ =	shalt  }
0x6f: {  	_ =	shalt  }
0x70: {  	_ =	shalt  }
0x71: {  	_ =	shalt  }
0x72: {  	_ =	shalt  }
0x73: {  	_ =	shalt  }
0x74: {  	_ =	shalt  }
0x75: {  	_ =	shalt  }
0x76: {  	_ =	shalt  }
0x77: {  	_ =	shalt  }
0x78: {  	_ =	shalt  }
0x79: {  	_ =	shalt  }
0x7a: {  	_ =	shalt  }
0x7b: {  	_ =	shalt  }
0x7c: {  	_ =	shalt  }
0x7d: {  	_ =	shalt  }
0x7e: {  	_ =	shalt  }
0x7f: {  	_ =	shalt  }
0x80: {  	_ =	shalt  }
0x81: {  	_ =	shalt  }
0x82: {  	_ =	shalt  }
0x83: {  	_ =	shalt  }
0x84: {  	_ =	shalt  }
0x85: {  	_ =	shalt  }
0x86: {  	_ =	shalt  }
0x87: {  	_ =	shalt  }
.Lfunc_end0:
.L_simem_size_0:
called_computation_lowered:
.L_overlay_start_0:
0x88: {  	s2 =	sld [smem:$0x3FD9]  }
0x89: {  	s3 =	sld [smem:$0x3FFE];
	_ =	sdelay $0x1  }
0x8a: {  	s1 =	srdreg.scid  }
0x8b: {  	s0 =	sand.u32 $0x1, s1  }
0x8c: {  	s17 =	sshll.u32 s0, $0xA;
	s2 =	sadd.s32 s3, s2  }
0x8d: {  	s2 =	sadd.s32 s2, s17  }
0x8e: {  	[smem:$0x3FC6] =	sst s2  }
0x8f: {  	_ = 	snop  }
0x90: {  	s2 =	sld [smem:$0x3FD0];
	(tm) =	ssettm $0x1  }
0x91: {  	s18 =	sld [smem:$0x3FFB];
	_ =	sdelay $0x3  }
0x92: {  	_ =	strace s18  }
0x93: {  	s3 =	sld [smem:$0x3FFC];
	_ =	sdelay $0x3  }
0x94: {  	_ =	strace s3  }
0x95: {  	s3 =	sld [smem:$0x3FFD];
	_ =	sdelay $0x3  }
0x96: {  	_ =	strace s3  }
0x97: {  	_ =	strace $0x8FFFFFFF  }
0x98: {  	s19 =	sld [smem:$0x3FDB];
	_ =	sdelay $0x1  }
0x99: {  	s4 =	simm.s32 $_scs_section_size  }
0x9a: {  	s5 =	simm.s32 $_size__tile_overlayer_lowered;
	s6 =	simm.s32 $_tile_overlayer_lowered  }
0x9b: {  	s22 =	simm.s32 $0x1BFF;
	s21 =	sshll.u32 s6, $0x1;
	s3 =	sadd.s32 s4, s19  }
0x9c: {  	s7 =	simm.s32 $0x0;
	s20 =	sshll.u32 s5, $0x1;
	s5 =	sadd.s32 s21, s3  }
0x9d: {  	[timem:s7], [sflag:s22] =	dma.local [hbm:s5], s20  }
0x9e: {  	_ =	swait.ge [sflag:s22], s20  }
0x9f: {  	s4 =	ssub.s32 $0x0, s20;
	[sflag:s22] =	ssyncset.done $0x0  }
0xa0: {  	[sflag:s22] =	ssyncadd.s32 s4;
	_ =	sdelay $0x1  }
0xa1: {  	s23 =	simm.s32 $0x1B8B  }
0xa2: {  	_ =	swait.ge [sflag:s23], $0x1  }
0xa3: {  	[sflag:s23] =	ssyncset.done $0x0  }
0xa4: {  	s25 =	simm.s32 $0x1B8E;
	s24 =	sld [smem:$0x3FFE];
	[sflag:s23] =	ssyncadd.s32 $0xFFFFFFFF  }
0xa5: {  	s26 =	simm.s32 $execute0_lowered;
	[smem:$0x3FD2] =	sst s25  }
0xa6: {  	s5 =	sshll.u32 s26, $0x1;
	_ =	strace $0x80000046;
	[dreg:$0x1] =	wrdreg $0xFFFFFFFF  }
0xa7: {  	s28 =	simm.s32 $_size_execute0_lowered;
	s3 =	sadd.s32 s3, s5;
	[dreg:$0x0] =	wrdreg $0x0  }
0xa8: {  	s5 =	sshll.u32 s28, $0x1;
	[dreg:$0x2] =	wrdreg s3  }
0xa9: {  	[dreg:$0x3] =	wrdreg s5  }
0xaa: {  	[dreg:$0x4] =	wrdreg $0xC0  }
0xab: {  	_ =	task [dreg:s7], $0x5FFFF  }
0xac: {  	[dreg:$0x1] =	wrdreg $0xFFFFFFFF  }
0xad: {  	[dreg:$0x0] =	wrdreg $0x60  }
0xae: {  	[dreg:$0x2] =	wrdreg s2  }
0xaf: {  	[dreg:$0x3] =	wrdreg s24  }
0xb0: {  	[dreg:$0x4] =	wrdreg $0x9  }
0xb1: {  	_ =	task.clear_ibuf [dreg:s7], $0x5FFFF;
	_ =	strace $0x90000046  }
0xb2: {  	s29 =	simm.s32 $0x9;
	_ =	strace $0x80000048  }
0xb3: {  	_ =	swait.ge [sflag:s29], $0x1  }
0xb4: {  	[sflag:s29] =	ssyncadd.s32 $0xFFFFFFFF  }
0xb5: {  	_ =	strace $0x90000048  }
0xb6: {  	_ =	sfence  }
0xb7: {  	s30 =	sld [smem:$0x0];
	_ =	sdelay $0x2  }
0xb8: {  	s31 =	sshll.u32 s1, $0xD;
	s1 =	sshrl.u32 s1, $0x2  }
0xb9: {  	s3 =	sand.u32 $0x4000, s31;
	s1 =	sadd.s32 s1, s30  }
0xba: {  	s0 =	sor.u32 s3, s0;
	s1 =	sshll.u32 s1, $0x11  }
0xbb: {  	s0 =	sor.u32 s1, s0  }
0xbc: {  	s0 =	sadd.s32 $0x8F2B, s0  }
0xbd: {  	[sflag:s0] =	ssyncadd.remote.s32 $0x1  }
0xbe: {  	_ =	sfence.sel $0xFFFF  }
0xbf: {  	[dreg:$0x0] =	wrdreg $0xFFFFFFFF;
	(pc) =	sbr.abs _section_cstart, $3  }
0xc0: {  	[dreg:$0x1] =	wrdreg $0xFFFFFFFF  }
0xc1: {  	_ =	task.clear_ibuf [dreg:s7], $0x2FFFF;
	_ =	strace $0x9FFFFFFF  }
0xc2: {  	(tm) =	ssettm $0x7FFFFFFF  }
0xc3: {  	_ =	shalt  }
tec
execute0_lowered:
.L_overlay_start_1:
0x0: {  	(tag) =	ssettag $0x1  }
0x1: {  	s1 =	rddreg [dreg:$0x0]  }
0x2: {  	s5 =	rddreg [dreg:$0x1];
	s2 =	srdreg.scid  }
0x3: {  	s0 =	rddreg [dreg:$0x2];
	s3 =	simm.s32 $0x0;
	s10 =	simm.s32 $0x1  }
0x4: {  	s12 =	simm.s32 $0x1C6A0;
	s13 =	simm.s32 $0x0;
	s6 =	sand.u32 $0x1, s2  }
0x5: {  	[smem:$0x7FF] =	sst s3;
	s2 =	stileid.u32;
	s4 =	sadd.s32 $0x400, s5  }
0x6: {  	s5 =	sadd.s32 $0x9EB600, s5;
	s7 =	ssub.s32 $0x2, s6;
	s9 =	sshll.u32 s2, $0x1  }
0x7: {  	_ =	strace $0x80000047;
	s8 =	sshrl.u32 s7, $0x1;
	s11 =	sor.u32 s6, s9  }
0x8: {  	s9 =	simm.s32 $0x2;
	s7 =	ssub.s32 s7, s8;
	s8 =	simm.s32 $0x186A0  }
0x9: {  	s6 =	smax.u32 s7, $0x1;
	s7 =	smul.u32 $0x186A0, s11;
	s11 =	sshll.u32 s11, $0xB  }
.LBB2_1:
0xa: {  	s14 =	simm.s32 $0x0  }
.LBB2_2:
0xb: {  	s15 =	smul.u32 $0x30D400, s14;
	_ =	sdelay $0x1  }
0xc: {  	s15 =	sadd.s32 s15, s7  }
0xd: {  	s15 =	sshrl.u32 s15, $0x3  }
0xe: {  	s16 =	simm.s32 $0x0;
	s30 =	sshll.u32 s14, $0xB;
	s15 =	sadd.s32 s4, s15  }
0xf: {  	[tilespmem:s16], [sflag:$0x1] =	stream.linear.gather [hbm4b:s15+s16], $0x186A0, $0x38;
	[tilespmem:$0x1E6A0] =	vst v63  }
0x10: {  	s15 =	sadd.s32 s1, s30  }
0x11: {  	[tilespmem:s8], [sflag:$0x2] =	stream.linear.gather [hbm4b:s15+s16], $0x4000, $0x38;
	[tilespmem:$0x1E6A0] =	vst v63  }
0x12: {  	_ =	swait.ge [sflag:s9], $0x4000  }
0x13: {  	[sflag:s9] =	ssyncset.done $0x0  }
0x14: {  	[sflag:s9] =	ssyncadd.s32 $0xFFFFC000  }
0x15: {  	_ =	swait.ge [sflag:s10], $0x186A0  }
0x16: {  	[sflag:s10] =	ssyncset.done $0x0  }
0x17: {  	s16 =	simm.s32 $0x0;
	[sflag:s10] =	ssyncadd.s32 $0xFFFE7960  }
0x18: {  	v0 =	vld [tilespmem:s16+$0x186A0];
	_ =	sdelay $0x5  }
0x19: {  	v1 =	vld [tilespmem:s16+$0x186B0];
	_ =	sdelay $0x1  }
0x1a: {  	v0 =	vld.idx.msk [tilespmem:v0+s3+$0x0], $0xffff;
	_ =	sdelay $0x4  }
0x1b: {  	[tilespmem:s16+$0x1C6A0] =	vst v0;
	v0 =	vld [tilespmem:s16+$0x186C0]  }
0x1c: {  	v1 =	vld.idx.msk [tilespmem:v1+s3+$0x0], $0xffff;
	_ =	sdelay $0x4  }
0x1d: {  	[tilespmem:s16+$0x1C6B0] =	vst v1;
	v1 =	vld [tilespmem:s16+$0x186D0];
	_ =	sdelay $0x1  }
0x1e: {  	v0 =	vld.idx.msk [tilespmem:v0+s3+$0x0], $0xffff;
	_ =	sdelay $0x4  }
0x1f: {  	[tilespmem:s16+$0x1C6C0] =	vst v0;
	v0 =	vld [tilespmem:s16+$0x186E0]  }
0x20: {  	v1 =	vld.idx.msk [tilespmem:v1+s3+$0x0], $0xffff;
	_ =	sdelay $0x4  }
0x21: {  	[tilespmem:s16+$0x1C6D0] =	vst v1;
	v1 =	vld [tilespmem:s16+$0x186F0];
	_ =	sdelay $0x1  }
0x22: {  	v0 =	vld.idx.msk [tilespmem:v0+s3+$0x0], $0xffff;
	_ =	sdelay $0x4  }
0x23: {  	v2 =	vld [tilespmem:s16+$0x18700];
	[tilespmem:s16+$0x1C6E0] =	vst v0  }
0x24: {  	v0 =	vld.idx.msk [tilespmem:v1+s3+$0x0], $0xffff;
	_ =	sdelay $0x4  }
0x25: {  	[tilespmem:s16+$0x1C6F0] =	vst v0;
	v0 =	vld [tilespmem:s16+$0x18710];
	_ =	sdelay $0x1  }
0x26: {  	v1 =	vld.idx.msk [tilespmem:v2+s3+$0x0], $0xffff;
	_ =	sdelay $0x1  }
0x27: {  	s31 =	sshll.u32 s14, $0x10  }
0x28: {  	s15 =	sor.u32 s11, s31  }
0x29: {  	s18 =	simm.s32 $0x80;
	s17 =	simm.s32 $0x400;
	s15 =	sadd.s32 s5, s15  }
.LBB2_3:
0x2a: {  	p0 =	sne.s32 s17, $0x7E00;
	v2 =	vld [tilespmem:s18+$0x186A0];
	[tilespmem:s16+$0x1C700] =	vst v1  }
0x2b: {  	v0 =	vld.idx.msk [tilespmem:v0+s3+$0x0], $0xffff;
	_ =	sdelay $0x5  }
0x2c: {  	v1 =	vld [tilespmem:s18+$0x186B0];
	[tilespmem:s16+$0x1C710] =	vst v0;
	s16 =	smov.u32 s18  }
0x2d: {  	v0 =	vld.idx.msk [tilespmem:v2+s3+$0x0], $0xffff;
	_ =	sdelay $0x5  }
0x2e: {  	[tilespmem:s16+$0x1C6A0] =	vst v0;
	v0 =	vld [tilespmem:s16+$0x186C0]  }
0x2f: {  	v1 =	vld.idx.msk [tilespmem:v1+s3+$0x0], $0xffff;
	_ =	sdelay $0x5  }
0x30: {  	[tilespmem:s16+$0x1C6B0] =	vst v1;
	v1 =	vld [tilespmem:s16+$0x186D0]  }
0x31: {  	v0 =	vld.idx.msk [tilespmem:v0+s3+$0x0], $0xffff;
	_ =	sdelay $0x5  }
0x32: {  	[tilespmem:s16+$0x1C6C0] =	vst v0;
	v0 =	vld [tilespmem:s16+$0x186E0]  }
0x33: {  	v1 =	vld.idx.msk [tilespmem:v1+s3+$0x0], $0xffff;
	_ =	sdelay $0x5  }
0x34: {  	[tilespmem:s16+$0x1C6D0] =	vst v1;
	v1 =	vld [tilespmem:s16+$0x186F0]  }
0x35: {  	v0 =	vld.idx.msk [tilespmem:v0+s3+$0x0], $0xffff;
	_ =	sdelay $0x5  }
0x36: {  	[tilespmem:s16+$0x1C6E0] =	vst v0;
	v2 =	vld [tilespmem:s16+$0x18700]  }
0x37: {  	v0 =	vld.idx.msk [tilespmem:v1+s3+$0x0], $0xffff;
	_ =	sdelay $0x5  }
0x38: {  	[tilespmem:s16+$0x1C6F0] =	vst v0;
	v0 =	vld [tilespmem:s16+$0x18710]  }
0x39: {  	v1 =	vld.idx.msk [tilespmem:v2+s3+$0x0], $0xffff  }
.Ltmp0:
0x3a: {  	(pc) =	sbr.rel @p0 .LBB2_3-.Ltmp0, $2  }
0x3b: {  	_ =	sdelay $0x2  }
0x3c: {  	s18 =	sshra.s32 s17, $0x2;
	s17 =	sadd.s32 $0x200, s17  }
0x3d: {  	_ =	sdelay $0x1  }
0x3e: {  	v2 =	vld [tilespmem:s18+$0x186A0]  }
0x3f: {  	[tilespmem:s16+$0x1C700] =	vst v1  }
0x40: {  	v0 =	vld.idx.msk [tilespmem:v0+s3+$0x0], $0xffff;
	_ =	sdelay $0x3  }
0x41: {  	v1 =	vld [tilespmem:s18+$0x186B0]  }
0x42: {  	[tilespmem:s16+$0x1C710] =	vst v0  }
0x43: {  	v0 =	vld.idx.msk [tilespmem:v2+s3+$0x0], $0xffff;
	_ =	sdelay $0x4  }
0x44: {  	[tilespmem:s18+$0x1C6A0] =	vst v0;
	v0 =	vld [tilespmem:s18+$0x186C0]  }
0x45: {  	v1 =	vld.idx.msk [tilespmem:v1+s3+$0x0], $0xffff;
	_ =	sdelay $0x4  }
0x46: {  	[tilespmem:s18+$0x1C6B0] =	vst v1;
	v1 =	vld [tilespmem:s18+$0x186D0];
	_ =	sdelay $0x1  }
0x47: {  	v0 =	vld.idx.msk [tilespmem:v0+s3+$0x0], $0xffff;
	_ =	sdelay $0x4  }
0x48: {  	[tilespmem:s18+$0x1C6C0] =	vst v0;
	v0 =	vld [tilespmem:s18+$0x186E0]  }
0x49: {  	v1 =	vld.idx.msk [tilespmem:v1+s3+$0x0], $0xffff;
	_ =	sdelay $0x4  }
0x4a: {  	[tilespmem:s18+$0x1C6D0] =	vst v1;
	v1 =	vld [tilespmem:s18+$0x186F0];
	_ =	sdelay $0x1  }
0x4b: {  	v0 =	vld.idx.msk [tilespmem:v0+s3+$0x0], $0xffff;
	_ =	sdelay $0x4  }
0x4c: {  	[tilespmem:s18+$0x1C6E0] =	vst v0;
	v0 =	vld [tilespmem:s18+$0x18700]  }
0x4d: {  	v1 =	vld.idx.msk [tilespmem:v1+s3+$0x0], $0xffff;
	_ =	sdelay $0x4  }
0x4e: {  	[tilespmem:s18+$0x1C6F0] =	vst v1;
	v1 =	vld [tilespmem:s18+$0x18710];
	_ =	sdelay $0x1  }
0x4f: {  	v0 =	vld.idx.msk [tilespmem:v0+s3+$0x0], $0xffff;
	_ =	sdelay $0x4  }
0x50: {  	[tilespmem:s18+$0x1C700] =	vst v0  }
0x51: {  	v0 =	vld.idx.msk [tilespmem:v1+s3+$0x0], $0xffff;
	_ =	sdelay $0x4  }
0x52: {  	s31 =	simm.s32 $0x0;
	[tilespmem:s18+$0x1C710] =	vst v0  }
0x53: {  	[hbm4b:s15+s31] =	stream.linear.scatter [tilespmem:s12], [sflag:$0x2], $0x2000, $0x38;
	[tilespmem:$0x1E6A0] =	vst v63  }
0x54: {  	_ =	swait.ge [sflag:s9], $0x2000  }
0x55: {  	[sflag:s9] =	ssyncset.done $0x0  }
0x56: {  	s16 =	simm.s32 $0x0;
	[sflag:s9] =	ssyncadd.s32 $0xFFFFE000  }
0x57: {  	v0 =	vld [tilespmem:s16+$0x1A6A0];
	_ =	sdelay $0x5  }
0x58: {  	v1 =	vld [tilespmem:s16+$0x1A6B0];
	_ =	sdelay $0x1  }
0x59: {  	v0 =	vld.idx.msk [tilespmem:v0+s3+$0x0], $0xffff;
	_ =	sdelay $0x4  }
0x5a: {  	[tilespmem:s16+$0x1C6A0] =	vst v0;
	v0 =	vld [tilespmem:s16+$0x1A6C0]  }
0x5b: {  	v1 =	vld.idx.msk [tilespmem:v1+s3+$0x0], $0xffff;
	_ =	sdelay $0x4  }
0x5c: {  	[tilespmem:s16+$0x1C6B0] =	vst v1;
	v1 =	vld [tilespmem:s16+$0x1A6D0];
	_ =	sdelay $0x1  }
0x5d: {  	v0 =	vld.idx.msk [tilespmem:v0+s3+$0x0], $0xffff;
	_ =	sdelay $0x4  }
0x5e: {  	[tilespmem:s16+$0x1C6C0] =	vst v0;
	v0 =	vld [tilespmem:s16+$0x1A6E0]  }
0x5f: {  	v1 =	vld.idx.msk [tilespmem:v1+s3+$0x0], $0xffff;
	_ =	sdelay $0x4  }
0x60: {  	[tilespmem:s16+$0x1C6D0] =	vst v1;
	v1 =	vld [tilespmem:s16+$0x1A6F0];
	_ =	sdelay $0x1  }
0x61: {  	v0 =	vld.idx.msk [tilespmem:v0+s3+$0x0], $0xffff;
	_ =	sdelay $0x4  }
0x62: {  	v2 =	vld [tilespmem:s16+$0x1A700];
	[tilespmem:s16+$0x1C6E0] =	vst v0  }
0x63: {  	v0 =	vld.idx.msk [tilespmem:v1+s3+$0x0], $0xffff;
	_ =	sdelay $0x4  }
0x64: {  	[tilespmem:s16+$0x1C6F0] =	vst v0;
	v0 =	vld [tilespmem:s16+$0x1A710];
	_ =	sdelay $0x1  }
0x65: {  	v1 =	vld.idx.msk [tilespmem:v2+s3+$0x0], $0xffff;
	_ =	sdelay $0x3  }
0x66: {  	s17 =	simm.s32 $0x400;
	s18 =	simm.s32 $0x80  }
.LBB2_5:
0x67: {  	p0 =	sne.s32 s17, $0x7E00;
	v2 =	vld [tilespmem:s18+$0x1A6A0];
	[tilespmem:s16+$0x1C700] =	vst v1  }
0x68: {  	v0 =	vld.idx.msk [tilespmem:v0+s3+$0x0], $0xffff;
	_ =	sdelay $0x5  }
0x69: {  	v1 =	vld [tilespmem:s18+$0x1A6B0];
	[tilespmem:s16+$0x1C710] =	vst v0;
	s16 =	smov.u32 s18  }
0x6a: {  	v0 =	vld.idx.msk [tilespmem:v2+s3+$0x0], $0xffff;
	_ =	sdelay $0x5  }
0x6b: {  	[tilespmem:s16+$0x1C6A0] =	vst v0;
	v0 =	vld [tilespmem:s16+$0x1A6C0]  }
0x6c: {  	v1 =	vld.idx.msk [tilespmem:v1+s3+$0x0], $0xffff;
	_ =	sdelay $0x5  }
0x6d: {  	[tilespmem:s16+$0x1C6B0] =	vst v1;
	v1 =	vld [tilespmem:s16+$0x1A6D0]  }
0x6e: {  	v0 =	vld.idx.msk [tilespmem:v0+s3+$0x0], $0xffff;
	_ =	sdelay $0x5  }
0x6f: {  	[tilespmem:s16+$0x1C6C0] =	vst v0;
	v0 =	vld [tilespmem:s16+$0x1A6E0]  }
0x70: {  	v1 =	vld.idx.msk [tilespmem:v1+s3+$0x0], $0xffff;
	_ =	sdelay $0x5  }
0x71: {  	[tilespmem:s16+$0x1C6D0] =	vst v1;
	v1 =	vld [tilespmem:s16+$0x1A6F0]  }
0x72: {  	v0 =	vld.idx.msk [tilespmem:v0+s3+$0x0], $0xffff;
	_ =	sdelay $0x5  }
0x73: {  	[tilespmem:s16+$0x1C6E0] =	vst v0;
	v2 =	vld [tilespmem:s16+$0x1A700]  }
0x74: {  	v0 =	vld.idx.msk [tilespmem:v1+s3+$0x0], $0xffff;
	_ =	sdelay $0x5  }
0x75: {  	[tilespmem:s16+$0x1C6F0] =	vst v0;
	v0 =	vld [tilespmem:s16+$0x1A710]  }
0x76: {  	v1 =	vld.idx.msk [tilespmem:v2+s3+$0x0], $0xffff  }
.Ltmp1:
0x77: {  	(pc) =	sbr.rel @p0 .LBB2_5-.Ltmp1, $2  }
0x78: {  	_ =	sdelay $0x2  }
0x79: {  	s18 =	sshra.s32 s17, $0x2;
	s17 =	sadd.s32 $0x200, s17  }
0x7a: {  	_ =	sdelay $0x1  }
0x7b: {  	v2 =	vld [tilespmem:s18+$0x1A6A0]  }
0x7c: {  	[tilespmem:s16+$0x1C700] =	vst v1  }
0x7d: {  	v0 =	vld.idx.msk [tilespmem:v0+s3+$0x0], $0xffff;
	_ =	sdelay $0x3  }
0x7e: {  	v1 =	vld [tilespmem:s18+$0x1A6B0]  }
0x7f: {  	[tilespmem:s16+$0x1C710] =	vst v0  }
0x80: {  	v0 =	vld.idx.msk [tilespmem:v2+s3+$0x0], $0xffff;
	_ =	sdelay $0x3  }
0x81: {  	v58 =	vld [tilespmem:s18+$0x1A6C0]  }
0x82: {  	[tilespmem:s18+$0x1C6A0] =	vst v0  }
0x83: {  	v1 =	vld.idx.msk [tilespmem:v1+s3+$0x0], $0xffff;
	_ =	sdelay $0x3  }
0x84: {  	v59 =	vld [tilespmem:s18+$0x1A6D0]  }
0x85: {  	[tilespmem:s18+$0x1C6B0] =	vst v1  }
0x86: {  	v0 =	vld.idx.msk [tilespmem:v58+s3+$0x0], $0xffff;
	_ =	sdelay $0x3  }
0x87: {  	v60 =	vld [tilespmem:s18+$0x1A6E0]  }
0x88: {  	[tilespmem:s18+$0x1C6C0] =	vst v0  }
0x89: {  	v1 =	vld.idx.msk [tilespmem:v59+s3+$0x0], $0xffff;
	_ =	sdelay $0x3  }
0x8a: {  	v61 =	vld [tilespmem:s18+$0x1A6F0]  }
0x8b: {  	[tilespmem:s18+$0x1C6D0] =	vst v1  }
0x8c: {  	v0 =	vld.idx.msk [tilespmem:v60+s3+$0x0], $0xffff;
	_ =	sdelay $0x3  }
0x8d: {  	v62 =	vld [tilespmem:s18+$0x1A700]  }
0x8e: {  	[tilespmem:s18+$0x1C6E0] =	vst v0  }
0x8f: {  	v1 =	vld.idx.msk [tilespmem:v61+s3+$0x0], $0xffff;
	_ =	sdelay $0x3  }
0x90: {  	v63 =	vld [tilespmem:s18+$0x1A710]  }
0x91: {  	[tilespmem:s18+$0x1C6F0] =	vst v1  }
0x92: {  	v0 =	vld.idx.msk [tilespmem:v62+s3+$0x0], $0xffff;
	_ =	sdelay $0x4  }
0x93: {  	[tilespmem:s18+$0x1C700] =	vst v0  }
0x94: {  	v0 =	vld.idx.msk [tilespmem:v63+s3+$0x0], $0xffff;
	_ =	sdelay $0x2  }
0x95: {  	s14 =	sadd.s32 $0x1, s14  }
0x96: {  	p0 =	sne.s32 s14, $0x1A  }
.Ltmp2:
0x97: {  	s15 =	sadd.s32 $0x400, s15;
	[tilespmem:s18+$0x1C710] =	vst v0;
	(pc) =	sbr.rel @p0 .LBB2_2-.Ltmp2, $4  }
0x98: {  	[hbm4b:s15+s3] =	stream.linear.scatter [tilespmem:s12], [sflag:$0x2], $0x2000, $0x38;
	[tilespmem:$0x1E6A0] =	vst v63  }
0x99: {  	_ =	swait.ge [sflag:s9], $0x2000  }
0x9a: {  	[sflag:s9] =	ssyncset.done $0x0  }
0x9b: {  	[sflag:s9] =	ssyncadd.s32 $0xFFFFE000  }
0x9c: {  	s13 =	sadd.s32 $0x1, s13  }
0x9d: {  	p0 =	sne.s32 s13, s6  }
.Ltmp3:
0x9e: {  	_ = 	snop;
	(pc) =	sbr.rel @p0 .LBB2_1-.Ltmp3, $1  }
0x9f: {  	_ =	sdelay $0x3  }
0xa0: {  	_ =	sfence.sel $0x180000  }
0xa1: {  	[bflag:$0x0] =	sbarrier.arrive $0xFFFF  }
0xa2: {  	p0 =	sne.s32 s2, $0x0;
	_ =	strace $0x90000047  }
0xa3: {  	s0 =	sadd.s32 @!p0 $0x100000, s0;
	[bflag:$0x2] =	sbarrier.arrive $0xFFFF  }
0xa4: {  	[sflag:s0] =	ssyncadd.tile.s32 @!p0 $0x1;
	_ =	shalt  }
.Lfunc_end2:
_tile_overlayer_lowered:
.L_overlay_start_2:
0xa5: {  	(tag) =	ssettag $0x2  }
0xa6: {  	s0 =	rddreg [dreg:$0x0];
	s2 =	stileid.u32  }
0xa7: {  	s1 =	rddreg [dreg:$0x1];
	p0 =	sne.s32 s2, $0x0  }
0xa8: {  	s3 =	rddreg [dreg:$0x2];
	[bflag:$0x3] =	sbarrier.arrive $0xFFFF;
	s2 =	simm.s32 @!p0 $0x1C02  }
0xa9: {  	[timem:s3], [sflag:s2] =	dma.local @!p0 [hbm:s0], s1  }
0xaa: {  	s0 =	simm.s32 @!p0 $0x2  }
0xab: {  	_ =	swait.ge @!p0 [sflag:s0], s1  }
0xac: {  	s1 =	ssub.s32 @!p0 $0x0, s1;
	[sflag:s0] =	ssyncset.done @!p0 $0x0  }
0xad: {  	[sflag:s0] =	ssyncadd.s32 @!p0 s1  }
0xae: {  	[bflag:$0x3] =	sbarrier.arrive $0xFFFF  }
0xaf: {  	_ =	shalt  }

</sc_bundles>
